<compile_context>
chip_gen: v7x
topology: tpu7x:2x2x1
jax: 0.10.2.dev20260603
libtpu: 0.0.44.dev20260713+nightly
codegen_flags: <defaults>
</compile_context>

<pallas_src>
import functools
import jax
import jax.numpy as jnp
from jax import lax

_PH = jax.lax.Precision.HIGHEST
from jax.experimental import pallas as pl
from jax.experimental.pallas import tpu as pltpu
from jax.experimental.pallas import tpu_sc as plsc

N = 10000
NP = 10112
E = 160000
HID = 128
NB = 16
NL = 3
NC = 10
EPS = 1e-5

NCORE = 2
NSUB = 16
NW = NCORE * NSUB
EW = E // NW
CH = 40
NCHUNK = EW // CH

_mesh = lambda: plsc.VectorSubcoreMesh(core_axis_name="c", subcore_axis_name="s")


def _bdot(a, b):
    return jnp.dot(a.astype(jnp.bfloat16), b.astype(jnp.bfloat16),
                   preferred_element_type=jnp.float32)


def _b16(a):
    return a.astype(jnp.bfloat16).astype(jnp.float32)


CH2 = 64
NFULL = EW // CH2
TAIL = EW - NFULL * CH2


@functools.partial(jax.jit, static_argnames=("width",))
def _sc_gather(rtab, ctab, row2, col2, *, width):

    @functools.partial(
        pl.kernel,
        mesh=_mesh(),
        out_type=[
            jax.ShapeDtypeStruct((E, width), jnp.float32),
            jax.ShapeDtypeStruct((E, width), jnp.float32),
        ],
        scratch_types=[
            pltpu.VMEM((EW,), jnp.int32),
            pltpu.VMEM((EW,), jnp.int32),
            pltpu.VMEM((CH2, width), jnp.float32),
            pltpu.VMEM((CH2, width), jnp.float32),
            pltpu.VMEM((CH2, width), jnp.float32),
            pltpu.VMEM((CH2, width), jnp.float32),
            pltpu.VMEM((CH2, width), jnp.float32),
            pltpu.VMEM((CH2, width), jnp.float32),
            pltpu.SemaphoreType.DMA,
            pltpu.SemaphoreType.DMA,
            pltpu.SemaphoreType.DMA,
            pltpu.SemaphoreType.DMA,
            pltpu.SemaphoreType.DMA,
            pltpu.SemaphoreType.DMA,
        ],
    )
    def gk(rt, ct, r2, c2, rg_out, cg_out, ridx, cidx,
           rb0, rb1, rb2, cb0, cb1, cb2, sr0, sr1, sr2, sc0, sc1, sc2):
        wid = lax.axis_index("s") * NCORE + lax.axis_index("c")
        base = pl.multiple_of(wid * EW, 8)
        pltpu.sync_copy(r2.at[wid], ridx)
        pltpu.sync_copy(c2.at[wid], cidx)
        rb = (rb0, rb1, rb2)
        cb = (cb0, cb1, cb2)
        sr = (sr0, sr1, sr2)
        sc = (sc0, sc1, sc2)
        nch = NFULL + 1
        pend = {}

        def drain(k):
            hr, hc, sz = pend.pop(k)
            hr.wait()
            hc.wait()
            sl = k % 3
            out = pl.ds(base + k * CH2, sz)
            pltpu.sync_copy(rb[sl].at[pl.ds(0, sz)], rg_out.at[out])
            pltpu.sync_copy(cb[sl].at[pl.ds(0, sz)], cg_out.at[out])

        for k in range(nch):
            sz = CH2 if k < NFULL else TAIL
            sl = k % 3
            isl = pl.ds(k * CH2, sz)
            hr = pltpu.async_copy(rt.at[ridx.at[isl]],
                                  rb[sl].at[pl.ds(0, sz)], sr[sl])
            hc = pltpu.async_copy(ct.at[cidx.at[isl]],
                                  cb[sl].at[pl.ds(0, sz)], sc[sl])
            pend[k] = (hr, hc, sz)
            if k >= 2:
                drain(k - 2)
        drain(nch - 2)
        drain(nch - 1)

    return gk(rtab, ctab, row2, col2)


@jax.jit
def _sc_gather1(tab, idx3):

    @functools.partial(
        pl.kernel,
        mesh=_mesh(),
        out_type=jax.ShapeDtypeStruct((E, HID), jnp.float32),
        scratch_types=[
            pltpu.VMEM((NCHUNK, CH), jnp.int32),
            pltpu.VMEM((CH, HID), jnp.float32),
            pltpu.SemaphoreType.DMA,
        ],
    )
    def gk(tb, i3, out, idx, buf, sem):
        wid = lax.axis_index("s") * NCORE + lax.axis_index("c")
        base = wid * EW
        pltpu.sync_copy(i3.at[wid], idx)

        def body(k, carry):
            pltpu.async_copy(tb.at[idx.at[k]], buf, sem).wait()
            off = pl.multiple_of(base + k * CH, 8)
            pltpu.sync_copy(buf, out.at[pl.ds(off, CH)])
            return carry

        lax.fori_loop(0, NCHUNK, body, 0)

    return gk(tab, idx3)


_SB = 1280
_NBLK = E // _SB
_NT = NP // HID
_G = _NBLK + 2 * _NT


@jax.jit
def _tc_segsum(eoS, dS, colS3, b_of_g, t_of_g, f_of_g):

    def body(b_ref, t_ref, f_ref, colr, eor, dr, acc_ref, ds_ref):
        g = pl.program_id(0)
        t = t_ref[g]
        f = f_ref[g]
        colv = colr[0]
        loc = colv - t * HID
        rows = lax.broadcasted_iota(jnp.int32, (HID, 1), 0)
        oh = jnp.where(rows == loc, 1.0, 0.0)
        part = jnp.dot(oh, eor[...], precision=_PH)
        partd = jnp.dot(oh, dr[...], precision=_PH)

        @pl.when(f == 3)
        def _():
            acc_ref[...] = part
            ds_ref[...] = partd

        @pl.when(f == 1)
        def _():
            acc_ref[...] = acc_ref[...] + part
            ds_ref[...] = ds_ref[...] + partd

    grid_spec = pltpu.PrefetchScalarGridSpec(
        num_scalar_prefetch=3,
        grid=(_G,),
        in_specs=[
            pl.BlockSpec((1, 1, _SB), lambda g, b, t, f: (b[g], 0, 0)),
            pl.BlockSpec((_SB, HID), lambda g, b, t, f: (b[g], 0)),
            pl.BlockSpec((_SB, 16), lambda g, b, t, f: (b[g], 0)),
        ],
        out_specs=[
            pl.BlockSpec((HID, HID), lambda g, b, t, f: (t[g], 0)),
            pl.BlockSpec((HID, 16), lambda g, b, t, f: (t[g], 0)),
        ],
    )
    return pl.pallas_call(
        body,
        grid_spec=grid_spec,
        out_shape=[
            jax.ShapeDtypeStruct((NP + HID, HID), jnp.float32),
            jax.ShapeDtypeStruct((NP + HID, 16), jnp.float32),
        ],
    )(b_of_g, t_of_g, f_of_g, colS3, eoS, dS)


def _segsum_schedule(colS):
    bfirst = colS[::_SB] // HID
    blast = colS[_SB - 1::_SB] // HID
    t_ids = jnp.arange(_NT)
    bstart = jnp.searchsorted(blast, t_ids, side="left")
    bend = jnp.searchsorted(bfirst, t_ids, side="right")
    n_t = jnp.maximum(bend - bstart, 1)
    off = jnp.concatenate([jnp.zeros((1,), jnp.int32),
                           jnp.cumsum(n_t).astype(jnp.int32)])
    total = off[-1]
    g_ids = jnp.arange(_G, dtype=jnp.int32)
    t_of_g = jnp.searchsorted(off, g_ids, side="right").astype(jnp.int32) - 1
    t_of_g = jnp.clip(t_of_g, 0, _NT - 1)
    j = g_ids - off[t_of_g]
    empty = (bend - bstart)[t_of_g] <= 0
    b_of_g = jnp.where(empty, 0, bstart[t_of_g] + j).astype(jnp.int32)
    f_of_g = jnp.where(j == 0, 3, 1).astype(jnp.int32)
    pad = g_ids >= total
    t_of_g = jnp.where(pad, _NT, t_of_g).astype(jnp.int32)
    b_of_g = jnp.where(pad, 0, b_of_g)
    f_of_g = jnp.where(pad, 3, f_of_g)
    return b_of_g, t_of_g, f_of_g


_EB = 2000


@functools.partial(jax.jit, static_argnames=("hw",))
def _tc_edge(rg, cg, eah, wd, wa, be, wg, bg, wc, bc, *, hw):
    W = hw + 128

    def body(rgr, cgr, eahr, wdr, war, ber, wgr, bgr, wcr, bcr, eo_ref, d_ref):
        rgv = rgr[...]
        cgv = cgr[...]
        ev = cgv[:, hw:hw + 16] - rgv[:, hw:hw + 16]
        s = jnp.sum(ev * ev, axis=1, keepdims=True)
        dist = jnp.where(s > 0, jnp.sqrt(jnp.where(s > 0, s, 1.0)), 0.0)
        t = _b16(dist) * _b16(wdr[...]) + _bdot(eahr[...], war[...]) + ber[...]
        if hw:
            t = t + rgv[:, :hw] + cgv[:, :hw]
        e1 = jax.nn.relu(t)
        g = jax.nn.sigmoid(jnp.sum(_b16(e1) * _b16(wgr[...]), axis=1,
                                   keepdims=True) + bgr[...][:, :1])
        eo = e1 * g
        w = (jnp.sum(_b16(eo) * _b16(wcr[...]), axis=1, keepdims=True)
             + bcr[...][:, :1])
        lane3 = (lax.broadcasted_iota(jnp.int32, (1, 16), 1) == 3)
        d_ref[...] = ev * w + jnp.where(lane3, 1.0, 0.0)
        eo_ref[...] = eo

    grid = (E // _EB,)
    full = lambda shape: pl.BlockSpec(shape, lambda i: (0, 0))
    return pl.pallas_call(
        body,
        grid=grid,
        in_specs=[
            pl.BlockSpec((_EB, W), lambda i: (i, 0)),
            pl.BlockSpec((_EB, W), lambda i: (i, 0)),
            pl.BlockSpec((_EB, NB), lambda i: (i, 0)),
            full((1, HID)), full((NB, HID)), full((1, HID)),
            full((1, HID)), full((1, HID)), full((1, HID)), full((1, HID)),
        ],
        out_specs=[
            pl.BlockSpec((_EB, HID), lambda i: (i, 0)),
            pl.BlockSpec((_EB, 16), lambda i: (i, 0)),
        ],
        out_shape=[
            jax.ShapeDtypeStruct((E, HID), jnp.float32),
            jax.ShapeDtypeStruct((E, 16), jnp.float32),
        ],
    )(rg, cg, eah, wd, wa, be, wg, bg, wc, bc)


_NBK = 1264


@functools.partial(jax.jit, static_argnames=("has_h", "do_prep"))
def _tc_node(acc, dsm, cv, dv, xcur, hn_in, hres, wna_h, wna_a, bna, wnb, bnb,
             ln_g, ln_b, wrow, wcol, *, has_h, do_prep):

    def body(*refs):
        i = 0
        accr = refs[i]; i += 1
        dsr = refs[i]; i += 1
        cvr = refs[i]; i += 1
        dvr = refs[i]; i += 1
        xr = refs[i]; i += 1
        if has_h:
            hnr = refs[i]; i += 1
            hrr = refs[i]; i += 1
            wnahr = refs[i]; i += 1
        wnaar = refs[i]; i += 1
        bnar = refs[i]; i += 1
        wnbr = refs[i]; i += 1
        bnbr = refs[i]; i += 1
        if do_prep:
            lngr = refs[i]; i += 1
            lnbr = refs[i]; i += 1
            wrr = refs[i]; i += 1
            wcr = refs[i]; i += 1
        h_out = refs[i]; i += 1
        x_out = refs[i]; i += 1
        if do_prep:
            r_out = refs[i]; i += 1
            c_out = refs[i]; i += 1
            hn_out = refs[i]; i += 1

        na = accr[...] / cvr[...]
        t = _bdot(na, wnaar[...]) + bnar[...]
        if has_h:
            t = t + _bdot(hnr[...], wnahr[...])
        node_out = jax.nn.relu(_bdot(jax.nn.relu(t), wnbr[...]) + bnbr[...])
        h_new = node_out + hrr[...] if has_h else node_out
        lane = lax.broadcasted_iota(jnp.int32, (1, 16), 1)
        x_new = xr[...] + jnp.where(lane < 3, dsr[...], 0.0) / dvr[...]
        h_out[...] = h_new
        x_out[...] = x_new
        if do_prep:
            m = jnp.mean(h_new, axis=1, keepdims=True)
            v = jnp.mean((h_new - m) * (h_new - m), axis=1, keepdims=True)
            hn2 = (h_new - m) / jnp.sqrt(v + EPS) * lngr[...] + lnbr[...]
            zpad = jnp.zeros((x_new.shape[0], HID - 16), jnp.float32)
            r_out[...] = jnp.concatenate([_bdot(hn2, wrr[...]), x_new, zpad], axis=1)
            c_out[...] = jnp.concatenate([_bdot(hn2, wcr[...]), x_new, zpad], axis=1)
            hn_out[...] = hn2

    grid = (NP // _NBK,)
    full = lambda shape: pl.BlockSpec(shape, lambda i: tuple(0 for _ in shape))
    in_specs = [
        pl.BlockSpec((_NBK, HID), lambda i: (i, 0)),
        pl.BlockSpec((_NBK, 16), lambda i: (i, 0)),
        pl.BlockSpec((_NBK, 1), lambda i: (i, 0)),
        pl.BlockSpec((_NBK, 1), lambda i: (i, 0)),
        pl.BlockSpec((_NBK, 16), lambda i: (i, 0)),
    ]
    args = [acc, dsm, cv, dv, xcur]
    if has_h:
        in_specs += [pl.BlockSpec((_NBK, HID), lambda i: (i, 0))] * 2
        in_specs += [full((HID, HID))]
        args += [hn_in, hres, wna_h]
    in_specs += [full((HID, HID)), full((1, HID)), full((HID, HID)),
                 full((1, HID))]
    args += [wna_a, bna, wnb, bnb]
    if do_prep:
        in_specs += [full((1, HID)), full((1, HID)), full((HID, HID)),
                     full((HID, HID))]
        args += [ln_g, ln_b, wrow, wcol]
    out_specs = [
        pl.BlockSpec((_NBK, HID), lambda i: (i, 0)),
        pl.BlockSpec((_NBK, 16), lambda i: (i, 0)),
    ]
    out_shape = [
        jax.ShapeDtypeStruct((NP, HID), jnp.float32),
        jax.ShapeDtypeStruct((NP, 16), jnp.float32),
    ]
    if do_prep:
        out_specs += [pl.BlockSpec((_NBK, 2 * HID), lambda i: (i, 0))] * 2
        out_shape += [jax.ShapeDtypeStruct((NP, 2 * HID), jnp.float32)] * 2
        out_specs += [pl.BlockSpec((_NBK, HID), lambda i: (i, 0))]
        out_shape += [jax.ShapeDtypeStruct((NP, HID), jnp.float32)]
    return pl.pallas_call(
        body, grid=grid, in_specs=in_specs, out_specs=out_specs,
        out_shape=out_shape)(*args)


@jax.jit
def _tc_head(h, fn_g, fn_b, w1, b1, w2, b2, w3p, b3p):

    def body(hr, gr, br, w1r, b1r, w2r, b2r, w3r, b3r, log_ref, emb_ref):
        hv = hr[...]
        m = jnp.mean(hv, axis=1, keepdims=True)
        v = jnp.mean((hv - m) * (hv - m), axis=1, keepdims=True)
        emb = (hv - m) / jnp.sqrt(v + EPS) * gr[...] + br[...]
        z = jax.nn.relu(_bdot(emb, w1r[...]) + b1r[...])
        z = jax.nn.relu(_bdot(z, w2r[...]) + b2r[...])
        log_ref[...] = _bdot(z, w3r[...]) + b3r[...]
        emb_ref[...] = emb

    grid = (NP // _NBK,)
    full = lambda shape: pl.BlockSpec(shape, lambda i: (0, 0))
    return pl.pallas_call(
        body, grid=grid,
        in_specs=[pl.BlockSpec((_NBK, HID), lambda i: (i, 0)),
                  full((1, HID)), full((1, HID)), full((HID, HID)),
                  full((1, HID)), full((HID, HID)), full((1, HID)),
                  full((HID, HID)), full((1, HID))],
        out_specs=[pl.BlockSpec((_NBK, HID), lambda i: (i, 0)),
                   pl.BlockSpec((_NBK, HID), lambda i: (i, 0))],
        out_shape=[jax.ShapeDtypeStruct((NP, HID), jnp.float32),
                   jax.ShapeDtypeStruct((NP, HID), jnp.float32)],
    )(h, fn_g, fn_b, w1, b1, w2, b2, w3p, b3p)


@jax.jit
def _tc_prep(hn_in, ln_g, ln_b, wrow, wcol, x):

    def body(hr, gr, br, wrr, wcr, xr, r_out, c_out, hn_out):
        hv = hr[...]
        m = jnp.mean(hv, axis=1, keepdims=True)
        v = jnp.mean((hv - m) * (hv - m), axis=1, keepdims=True)
        hn2 = (hv - m) / jnp.sqrt(v + EPS) * gr[...] + br[...]
        xv = xr[...]
        zpad = jnp.zeros((xv.shape[0], HID - 16), jnp.float32)
        r_out[...] = jnp.concatenate([_bdot(hn2, wrr[...]), xv, zpad], axis=1)
        c_out[...] = jnp.concatenate([_bdot(hn2, wcr[...]), xv, zpad], axis=1)
        hn_out[...] = hn2

    grid = (NP // _NBK,)
    full = lambda shape: pl.BlockSpec(shape, lambda i: (0, 0))
    return pl.pallas_call(
        body, grid=grid,
        in_specs=[pl.BlockSpec((_NBK, HID), lambda i: (i, 0)),
                  full((1, HID)), full((1, HID)), full((HID, HID)),
                  full((HID, HID)),
                  pl.BlockSpec((_NBK, 16), lambda i: (i, 0))],
        out_specs=[pl.BlockSpec((_NBK, 2 * HID), lambda i: (i, 0)),
                   pl.BlockSpec((_NBK, 2 * HID), lambda i: (i, 0)),
                   pl.BlockSpec((_NBK, HID), lambda i: (i, 0))],
        out_shape=[jax.ShapeDtypeStruct((NP, 2 * HID), jnp.float32),
                   jax.ShapeDtypeStruct((NP, 2 * HID), jnp.float32),
                   jax.ShapeDtypeStruct((NP, HID), jnp.float32)],
    )(hn_in, ln_g, ln_b, wrow, wcol, x)


def kernel(pos_norm, edge_index, edge_angle_hist, center_mask,
           We0, be0, Wc0, bc0, Wg0, bg0, Wna0, bna0, Wnb0, bnb0,
           We, be, Wc, bc, Wg, bg, Wna, bna, Wnb, bnb,
           ln_g, ln_b, fn_g, fn_b, Wc1, bc1, Wc2, bc2, Wc3, bc3):
    f32 = jnp.float32
    x = jnp.pad(pos_norm, ((0, NP - N), (0, 13)))
    row, col = edge_index[0], edge_index[1]
    eah = edge_angle_hist

    perm = jnp.argsort(col)
    rowP = row[perm]
    colP = col[perm]
    perm3 = perm.astype(jnp.int32).reshape(NW, NCHUNK, CH)
    rowP2 = rowP.reshape(NW, EW)
    colP2 = colP.reshape(NW, EW)
    colS3 = colP.reshape(_NBLK, 1, _SB)
    b_of_g, t_of_g, f_of_g = _segsum_schedule(colP)
    cv = jnp.clip(jnp.bincount(col, length=NP).astype(f32), 1.0, None)[:, None]
    dv = jnp.clip(jnp.bincount(row, length=NP).astype(f32), 1.0, None)[:, None]

    eah128 = jnp.pad(eah, ((0, 0), (0, HID - NB)))
    eahP = _sc_gather1(eah128, perm3)[:, :NB]

    r2 = lambda a: a.reshape(1, -1)

    x128 = jnp.pad(x, ((0, 0), (0, HID - 16)))
    rg, cg = _sc_gather(x128, x128, rowP2, colP2, width=HID)
    eo, d = _tc_edge(rg, cg, eahP, r2(We0[0]), We0[1:], r2(be0),
                     r2(Wg0[:, 0]), jnp.broadcast_to(bg0, (1, HID)),
                     r2(Wc0[:, 0]), jnp.broadcast_to(bc0, (1, HID)), hw=0)
    acc_e, ds_e = _tc_segsum(eo, d, colS3, b_of_g, t_of_g, f_of_g)
    h, x = _tc_node(acc_e[:NP], ds_e[:NP], cv, dv, x, None, None, None,
                    Wna0, r2(bna0), Wnb0, r2(bnb0), None, None, None, None,
                    has_h=False, do_prep=False)
    rt, ct, hn = _tc_prep(h, r2(ln_g[0]), r2(ln_b[0]), We[0][:HID],
                          We[0][HID:2 * HID], x)

    for i in range(NL):
        Wei = We[i]
        rg, cg = _sc_gather(rt, ct, rowP2, colP2, width=2 * HID)
        eo, d = _tc_edge(rg, cg, eahP, r2(Wei[2 * HID]), Wei[2 * HID + 1:],
                         r2(be[i]), r2(Wg[i][:, 0]),
                         jnp.broadcast_to(bg[i], (1, HID)),
                         r2(Wc[i][:, 0]), jnp.broadcast_to(bc[i], (1, HID)),
                         hw=HID)
        acc_e, ds_e = _tc_segsum(eo, d, colS3, b_of_g, t_of_g, f_of_g)
        do_prep = i + 1 < NL
        outs = _tc_node(
            acc_e[:NP], ds_e[:NP], cv, dv, x, hn, h, Wna[i][:HID],
            Wna[i][HID:], r2(bna[i]), Wnb[i], r2(bnb[i]),
            r2(ln_g[i + 1]) if do_prep else None,
            r2(ln_b[i + 1]) if do_prep else None,
            We[i + 1][:HID] if do_prep else None,
            We[i + 1][HID:2 * HID] if do_prep else None,
            has_h=True, do_prep=do_prep)
        if do_prep:
            h, x, rt, ct, hn = outs
        else:
            h, x = outs

    w3p = jnp.pad(Wc3, ((0, 0), (0, HID - NC)))
    b3p = jnp.pad(bc3, ((0, HID - NC)))
    logits_p, emb = _tc_head(h, r2(fn_g), r2(fn_b), Wc1, r2(bc1),
                             Wc2, r2(bc2), w3p, r2(b3p))
    return logits_p[:N, :NC], emb[:N]

# --- scband reference (transcript-rebuilt; emitter-appended) ---
"""Pipeline reference for scband-egnn-88974542504163 (READ-ONLY COPY).

The authoritative reference and input builder live on the scoring server;
editing this copy changes nothing except your own understanding.
"""

import jax, jax.numpy as jnp
import numpy as np

N = 10000
E = 160000
HID = 128
NB = 16
NL = 3
NC = 10
EPS = 1e-5

def _ln(h, g, b):
    m = jnp.mean(h, axis=-1, keepdims=True)
    v = jnp.var(h, axis=-1, keepdims=True)
    return (h - m) / jnp.sqrt(v + EPS) * g + b

def _safe_norm(v):
    s = jnp.sum(v * v, axis=1, keepdims=True)
    safe = jnp.where(s > 0, s, 1.0)
    return jnp.where(s > 0, jnp.sqrt(safe), 0.0)

def _conv(h, x, row, col, eah, We, be, Wc, bc, Wg, bg, Wna, bna, Wnb, bnb):
    n = x.shape[0]
    deg = jax.ops.segment_sum(jnp.ones_like(row, dtype=x.dtype), row, num_segments=n)
    deg = jnp.clip(deg, 1.0, None)
    edge_vec = x[col] - x[row]
    edge_dists = _safe_norm(edge_vec)
    edge_info = jnp.concatenate([h[row], h[col], edge_dists, eah], axis=1)
    edge_out = jax.nn.relu(edge_info @ We + be)
    gate = jax.nn.sigmoid(edge_out @ Wg + bg)
    edge_out = edge_out * gate
    cnt = jax.ops.segment_sum(jnp.ones((edge_out.shape[0],), x.dtype), col, num_segments=n)
    node_accum = jax.ops.segment_sum(edge_out, col, num_segments=n) / jnp.clip(cnt, 1.0, None)[:, None]
    node_out = jnp.concatenate([h, node_accum], axis=1)
    node_out = jax.nn.relu(node_out @ Wna + bna)
    node_out = jax.nn.relu(node_out @ Wnb + bnb)
    w = edge_out @ Wc + bc
    delta = jax.ops.segment_sum(edge_vec * w, col, num_segments=n)
    x_new = x + delta / deg[:, None]
    return node_out, x_new

def _param(k, shape):
    return jax.random.normal(k, shape, dtype=jnp.float32) * 0.05

def setup_inputs(seed: int = 0):
    key = jax.random.key(seed)
    ks = jax.random.split(key, 20)
    inp = {}
    inp['pos_norm'] = jax.random.normal(ks[0], (N, 3), dtype=jnp.float32)
    inp['edge_index'] = jax.random.randint(ks[1], (2, E), 0, N, dtype=jnp.int32)
    inp['edge_angle_hist'] = jax.random.uniform(ks[2], (E, NB), dtype=jnp.float32)
    inp['center_mask'] = jnp.ones((N,), dtype=bool)
    inp['We0'] = _param(ks[3], (1 + NB, HID)); inp['be0'] = jnp.zeros((HID,), jnp.float32)
    inp['Wc0'] = _param(ks[4], (HID, 1)); inp['bc0'] = jnp.zeros((1,), jnp.float32)
    inp['Wg0'] = _param(ks[5], (HID, 1)); inp['bg0'] = jnp.zeros((1,), jnp.float32)
    inp['Wna0'] = _param(ks[6], (HID, HID)); inp['bna0'] = jnp.zeros((HID,), jnp.float32)
    inp['Wnb0'] = _param(ks[7], (HID, HID)); inp['bnb0'] = jnp.zeros((HID,), jnp.float32)
    inp['We'] = _param(ks[8], (NL, 2 * HID + 1 + NB, HID)); inp['be'] = jnp.zeros((NL, HID), jnp.float32)
    inp['Wc'] = _param(ks[9], (NL, HID, 1)); inp['bc'] = jnp.zeros((NL, 1), jnp.float32)
    inp['Wg'] = _param(ks[10], (NL, HID, 1)); inp['bg'] = jnp.zeros((NL, 1), jnp.float32)
    inp['Wna'] = _param(ks[11], (NL, 2 * HID, HID)); inp['bna'] = jnp.zeros((NL, HID), jnp.float32)
    inp['Wnb'] = _param(ks[12], (NL, HID, HID)); inp['bnb'] = jnp.zeros((NL, HID), jnp.float32)
    inp['ln_g'] = jnp.ones((NL, HID), jnp.float32); inp['ln_b'] = jnp.zeros((NL, HID), jnp.float32)
    inp['fn_g'] = jnp.ones((HID,), jnp.float32); inp['fn_b'] = jnp.zeros((HID,), jnp.float32)
    inp['Wc1'] = _param(ks[13], (HID, HID)); inp['bc1'] = jnp.zeros((HID,), jnp.float32)
    inp['Wc2'] = _param(ks[14], (HID, HID)); inp['bc2'] = jnp.zeros((HID,), jnp.float32)
    inp['Wc3'] = _param(ks[15], (HID, NC)); inp['bc3'] = jnp.zeros((NC,), jnp.float32)
    return inp

def reference(pos_norm, edge_index, edge_angle_hist, center_mask,
              We0, be0, Wc0, bc0, Wg0, bg0, Wna0, bna0, Wnb0, bnb0,
              We, be, Wc, bc, Wg, bg, Wna, bna, Wnb, bnb,
              ln_g, ln_b, fn_g, fn_b, Wc1, bc1, Wc2, bc2, Wc3, bc3):
    row, col = edge_index[0], edge_index[1]
    eah = edge_angle_hist
    h = jnp.zeros((pos_norm.shape[0], 0), dtype=jnp.float32)
    h, x = _conv(h, pos_norm, row, col, eah, We0, be0, Wc0, bc0, Wg0, bg0, Wna0, bna0, Wnb0, bnb0)
    for i in range(NL):
        hn = _ln(h, ln_g[i], ln_b[i])
        h2, x = _conv(hn, x, row, col, eah, We[i], be[i], Wc[i], bc[i], Wg[i], bg[i], Wna[i], bna[i], Wnb[i], bnb[i])
        h = h2 + h
    h_c = jnp.where(center_mask[:, None], h, 0.0)
    emb = _ln(h_c, fn_g, fn_b)
    z = jax.nn.relu(emb @ Wc1 + bc1)
    z = jax.nn.relu(z @ Wc2 + bc2)
    logits = z @ Wc3 + bc3
    return logits, emb

if __name__ == "__main__":
    import jax
    _d = setup_inputs()
    print(jax.jit(kernel)(*tuple(_d.values())))

</pallas_src>

<mosaic_0001>
#map = affine_map<(d0, d1) -> (0, 0)>
#map1 = affine_map<(d0, d1) -> (0, 0, 0)>
module attributes {stable_mosaic.version = 14 : i64} {
  func.func @gk(%arg0: i32, %arg1: i32, %arg2: memref<160000x128xf32, #tpu.memory_space<hbm>>, %arg3: memref<32x125x40xi32, #tpu.memory_space<hbm>>, %arg4: memref<160000x128xf32, #tpu.memory_space<hbm>>, %arg5: memref<125x40xi32, #tpu.memory_space<vmem>>, %arg6: memref<40x128xf32, #tpu.memory_space<vmem>>, %arg7: memref<!tpu.dma_semaphore, #tpu.memory_space<semaphore_mem>>) attributes {dimension_semantics = [#tpu.dimension_semantics<core_parallel>, #tpu.dimension_semantics<subcore_parallel>], iteration_bounds = array<i64: 2, 16>, scalar_prefetch = 0 : i64, scratch_operands = 3 : i64, tpu.core_type = #tpu.core_type<sc_vector_subcore>, window_params = [{transform_indices = #map}, {transform_indices = #map1}, {transform_indices = #map}]} {
    %mul3A = arith.constant 2 : i32
    %mul3A_0 = arith.muli %arg1, %mul3A : i32
    %add3A = arith.addi %mul3A_0, %arg0 : i32
    %mul3A_1 = arith.constant 5000 : i32
    %mul3A_2 = arith.muli %add3A, %mul3A_1 : i32
    "tpu.region"() ({
      %run_scoped3A = tpu.sem_alloc : memref<!tpu.dma_semaphore, #tpu.memory_space<semaphore_mem>>
      %dma_start3A = arith.constant 0 : i32
      %dma_start3A_8 = arith.constant 0 : i32
      %dma_start3A_9 = tpu.memref_slice %arg3[%add3A, %dma_start3A, %dma_start3A_8] : memref<32x125x40xi32, #tpu.memory_space<hbm>> -> memref<1x125x40xi32, #tpu.memory_space<hbm>>
      %dma_start3A_10 = tpu.memref_squeeze %dma_start3A_9 : memref<1x125x40xi32, #tpu.memory_space<hbm>> -> memref<125x40xi32, #tpu.memory_space<hbm>>
      %dma_start3A_11 = arith.constant 0 : i32
      %dma_start3A_12 = arith.constant 0 : i32
      %dma_start3A_13 = tpu.memref_slice %arg3[%add3A, %dma_start3A_11, %dma_start3A_12] : memref<32x125x40xi32, #tpu.memory_space<hbm>> -> memref<1x125x40xi32, #tpu.memory_space<hbm>>
      %dma_start3A_14 = tpu.memref_squeeze %dma_start3A_13 : memref<1x125x40xi32, #tpu.memory_space<hbm>> -> memref<125x40xi32, #tpu.memory_space<hbm>>
      tpu.enqueue_dma source(%dma_start3A_14 : memref<125x40xi32, #tpu.memory_space<hbm>>) target(%arg5 : memref<125x40xi32, #tpu.memory_space<vmem>>) target_semaphore(%run_scoped3A : memref<!tpu.dma_semaphore, #tpu.memory_space<semaphore_mem>>)
      %dma_wait3A = arith.constant 0 : i32
      %dma_wait3A_15 = arith.constant 0 : i32
      %dma_wait3A_16 = tpu.memref_slice %arg3[%add3A, %dma_wait3A, %dma_wait3A_15] : memref<32x125x40xi32, #tpu.memory_space<hbm>> -> memref<1x125x40xi32, #tpu.memory_space<hbm>>
      %dma_wait3A_17 = tpu.memref_squeeze %dma_wait3A_16 : memref<1x125x40xi32, #tpu.memory_space<hbm>> -> memref<125x40xi32, #tpu.memory_space<hbm>>
      %dma_wait3A_18 = arith.constant 0 : i32
      %dma_wait3A_19 = arith.constant 0 : i32
      %dma_wait3A_20 = tpu.memref_slice %arg3[%add3A, %dma_wait3A_18, %dma_wait3A_19] : memref<32x125x40xi32, #tpu.memory_space<hbm>> -> memref<1x125x40xi32, #tpu.memory_space<hbm>>
      %dma_wait3A_21 = tpu.memref_squeeze %dma_wait3A_20 : memref<1x125x40xi32, #tpu.memory_space<hbm>> -> memref<125x40xi32, #tpu.memory_space<hbm>>
      tpu.wait_dma2 semaphore(%run_scoped3A : memref<!tpu.dma_semaphore, #tpu.memory_space<semaphore_mem>>) src(%dma_wait3A_21 : memref<125x40xi32, #tpu.memory_space<hbm>>) dst(%arg5 : memref<125x40xi32, #tpu.memory_space<vmem>>)
      tpu.yield
    }) : () -> ()
    %scan3A = arith.constant 0 : i32
    %scan3A_3 = arith.constant 0 : i32
    %scan3A_4 = arith.constant 125 : i32
    %scan3A_5 = arith.addi %scan3A_3, %scan3A_4 : i32
    %scan3A_6 = arith.constant 1 : i32
    scf.for %scan3A_8 = %scan3A_3 to %scan3A_5 step %scan3A_6  : i32 {
      %dma_start3A = arith.constant 0 : i32
      %dma_start3A_9 = tpu.memref_slice %arg5[%scan3A_8, %dma_start3A] : memref<125x40xi32, #tpu.memory_space<vmem>> -> memref<1x40xi32, #tpu.memory_space<vmem>>
      %dma_start3A_10 = tpu.memref_squeeze %dma_start3A_9 : memref<1x40xi32, #tpu.memory_space<vmem>> -> memref<40xi32, #tpu.memory_space<vmem>>
      %dma_start3A_11 = arith.constant 0 : i32
      %dma_start3A_12 = arith.constant 0 : i32
      %dma_start3A_13 = tpu.memref_slice %arg2[%dma_start3A_11, %dma_start3A_12] : memref<160000x128xf32, #tpu.memory_space<hbm>> -> memref<160000x128xf32, #tpu.memory_space<hbm>>
      tpu.enqueue_indirect_dma source(%dma_start3A_13 : memref<160000x128xf32, #tpu.memory_space<hbm>>) target(%arg6 : memref<40x128xf32, #tpu.memory_space<vmem>>) offsets(%dma_start3A_10 : memref<40xi32, #tpu.memory_space<vmem>>) semaphore(%arg7 : memref<!tpu.dma_semaphore, #tpu.memory_space<semaphore_mem>>)
      %dma_wait3A = arith.constant 0 : i32
      %dma_wait3A_14 = tpu.memref_slice %arg5[%scan3A_8, %dma_wait3A] : memref<125x40xi32, #tpu.memory_space<vmem>> -> memref<1x40xi32, #tpu.memory_space<vmem>>
      %dma_wait3A_15 = tpu.memref_squeeze %dma_wait3A_14 : memref<1x40xi32, #tpu.memory_space<vmem>> -> memref<40xi32, #tpu.memory_space<vmem>>
      %dma_wait3A_16 = arith.constant 0 : i32
      %dma_wait3A_17 = arith.constant 0 : i32
      %dma_wait3A_18 = tpu.memref_slice %arg2[%dma_wait3A_16, %dma_wait3A_17] : memref<160000x128xf32, #tpu.memory_space<hbm>> -> memref<160000x128xf32, #tpu.memory_space<hbm>>
      tpu.wait_indirect_dma semaphore(%arg7 : memref<!tpu.dma_semaphore, #tpu.memory_space<semaphore_mem>>) src(%dma_wait3A_18 : memref<160000x128xf32, #tpu.memory_space<hbm>>) dst(%arg6 : memref<40x128xf32, #tpu.memory_space<vmem>>)
      %mul3A_19 = arith.constant 40 : i32
      %mul3A_20 = arith.muli %scan3A_8, %mul3A_19 : i32
      %add3A_21 = arith.addi %mul3A_2, %mul3A_20 : i32
      %multiple_of3A = tpu.assume_multiple %add3A_21, 8 : i32
      "tpu.region"() ({
        %run_scoped3A = tpu.sem_alloc : memref<!tpu.dma_semaphore, #tpu.memory_space<semaphore_mem>>
        %dma_start3A_22 = arith.constant 0 : i32
        %dma_start3A_23 = tpu.memref_slice %arg4[%multiple_of3A, %dma_start3A_22] : memref<160000x128xf32, #tpu.memory_space<hbm>> -> memref<40x128xf32, #tpu.memory_space<hbm>>
        %dma_start3A_24 = arith.constant 0 : i32
        %dma_start3A_25 = tpu.memref_slice %arg4[%multiple_of3A, %dma_start3A_24] : memref<160000x128xf32, #tpu.memory_space<hbm>> -> memref<40x128xf32, #tpu.memory_space<hbm>>
        tpu.enqueue_dma source(%arg6 : memref<40x128xf32, #tpu.memory_space<vmem>>) target(%dma_start3A_25 : memref<40x128xf32, #tpu.memory_space<hbm>>) target_semaphore(%run_scoped3A : memref<!tpu.dma_semaphore, #tpu.memory_space<semaphore_mem>>)
        %dma_wait3A_26 = arith.constant 0 : i32
        %dma_wait3A_27 = tpu.memref_slice %arg4[%multiple_of3A, %dma_wait3A_26] : memref<160000x128xf32, #tpu.memory_space<hbm>> -> memref<40x128xf32, #tpu.memory_space<hbm>>
        %dma_wait3A_28 = arith.constant 0 : i32
        %dma_wait3A_29 = tpu.memref_slice %arg4[%multiple_of3A, %dma_wait3A_28] : memref<160000x128xf32, #tpu.memory_space<hbm>> -> memref<40x128xf32, #tpu.memory_space<hbm>>
        tpu.wait_dma2 semaphore(%run_scoped3A : memref<!tpu.dma_semaphore, #tpu.memory_space<semaphore_mem>>) src(%arg6 : memref<40x128xf32, #tpu.memory_space<vmem>>) dst(%dma_wait3A_29 : memref<40x128xf32, #tpu.memory_space<hbm>>)
        tpu.yield
      }) : () -> ()
    }
    %scan3A_7 = arith.constant 125 : i32
    return
  }
}

</mosaic_0001>

<sc_bundles>
// kernel: _sc_gather1.3.cloned.1.call-start
scs
__scs_entry_jumppad:
0x0: {  	(pc) =	sbr.rel $0x88, $3  }
0x1: {  	(tag) =	ssettag $0x0;
	lr =	simm.s32 $0x1  }
0x2: {  	[smem:$0x3F9F] =	sst lr;
	_ =	strace $0xD0000000  }
0x3: {  	_ = 	snop  }
0x4: {  	_ = 	snop  }
0x5: {  	_ = 	snop  }
0x6: {  	_ = 	snop  }
0x7: {  	_ = 	snop  }
__scs_overlays_trampoline_lowered:
0x8: {  	[smem:$0x3FAE] =	sst s0  }
0x9: {  	[smem:$0x3FAF] =	sst s1  }
0xa: {  	[smem:$0x3FB0] =	sst s2  }
0xb: {  	[smem:$0x3FB1] =	sst s3  }
0xc: {  	[smem:$0x3FB2] =	sst s4  }
0xd: {  	[smem:$0x3FB3] =	sst s5  }
0xe: {  	[smem:$0x3FB4] =	sst s6  }
0xf: {  	[smem:$0x3FB5] =	sst s7  }
0x10: {  	[smem:$0x3FB6] =	sst s8  }
0x11: {  	[smem:$0x3FB7] =	sst s9;
	s0 =	simm.s32 @!p0 $0x0  }
0x12: {  	s1 =	sld [smem:$0x3F9D];
	s0 =	simm.s32 @p0 $0x1  }
0x13: {  	[smem:$0x3FB8] =	sst s0;
	s0 =	simm.s32 @!p1 $0x0  }
0x14: {  	s2 =	sld [smem:$0x3F9C];
	s0 =	simm.s32 @p1 $0x1  }
0x15: {  	[smem:$0x3FB9] =	sst s0;
	s0 =	simm.s32 @!p2 $0x0  }
0x16: {  	s3 =	sld [smem:$0x3FDB];
	s0 =	simm.s32 @p2 $0x1  }
0x17: {  	s4 =	simm.s32 $0x1BF5;
	[smem:$0x3FBB] =	sst s0  }
0x18: {  	s0 =	sld [smem:$0x3F9E];
	_ =	swait.ge [sflag:s4], $0x0  }
0x19: {  	s7 =	sld [smem:$0x3F9F]  }
0x1a: {  	s8 =	sadd.s32 $0xFFFFE003, lr  }
0x1b: {  	s9 =	sadd.s32 $0xFFFFFEF7, lr;
	s5 =	simm.s32 $0xFFFFFFFF;
	p2 =	slt.u32 s8, $0xFFFFF086  }
0x1c: {  	p1 =	slt.u32 s9, $0xF7A;
	s5 =	simm.s32 @!p2 $0x0  }
0x1d: {  	s5 =	simm.s32 @p1 $0x1;
	p0 =	seq.s32 s7, s2  }
0x1e: {  	s7 =	smul.u32 @!p0 $0xF7A, s2;
	p2 =	seq.s32 @!p0 s5, $0x0  }
0x1f: {  	s9 =	smul.u32 $0xF7A, s1;
	s8 =	simm.s32 @!p0 $0x1BF5;
	p2 =	por !p2, p0  }
0x20: {  	[sflag:s8] =	ssyncset.s32 @!p0 $0xFFFFF086;
	s6 =	sadd.s32 @!p0 s3, s7;
	s7 =	simm.s32 @!p0 $0x108  }
0x21: {  	s3 =	sadd.s32 s3, s9;
	s6 =	sadd.s32 @!p0 $0x88, s6;
	s7 =	simm.s32 @p2 $0x1082  }
0x22: {  	[simem:s7], [sflag:s8] =	dma.local @!p0 [hbm:s6], $0xF7A  }
0x23: {  	s9 =	sor.u32 $0xD0000000, s2;
	s6 =	simm.s32 $0x108;
	_ =	swait.ge @!p0 [sflag:s8], $0x0  }
0x24: {  	s3 =	sadd.s32 $0x88, s3;
	s6 =	simm.s32 @!p1 $0x1082;
	[sflag:s4] =	ssyncset.s32 $0xFFFFF086  }
0x25: {  	[simem:s6], [sflag:s4] =	dma.local [hbm:s3], $0xF7A  }
0x26: {  	[smem:$0x3F9F] =	sst s1;
	(tag) =	ssettag s2;
	_ =	strace s9  }
0x27: {  	s1 =	sld [smem:$0x3FAF]  }
0x28: {  	s2 =	sld [smem:$0x3FB0]  }
0x29: {  	s4 =	sld [smem:$0x3FB2]  }
0x2a: {  	p0 =	seq.s32 s5, $0x0;
	s5 =	sld [smem:$0x3FB3]  }
0x2b: {  	s6 =	sld [smem:$0x3FB4]  }
0x2c: {  	s7 =	sld [smem:$0x3FB5]  }
0x2d: {  	s3 =	simm.s32 $0x108;
	s8 =	sld [smem:$0x3FB6]  }
0x2e: {  	s3 =	simm.s32 @!p0 $0x1082;
	s9 =	sld [smem:$0x3FB7]  }
0x2f: {  	lr =	sadd.s32 s0, s3;
	s0 =	sld [smem:$0x3FAE]  }
0x30: {  	s3 =	sld [smem:$0x3FB1]  }
0x31: {  	[smem:$0x3FBA] =	sst s10  }
0x32: {  	s10 =	sld [smem:$0x3FB8];
	_ =	sdelay $0x3  }
0x33: {  	p0 =	seq.s32 s10, $0x1;
	s10 =	sld [smem:$0x3FBA];
	_ =	sdelay $0x3  }
0x34: {  	[smem:$0x3FBA] =	sst s10  }
0x35: {  	s10 =	sld [smem:$0x3FB9];
	_ =	sdelay $0x3  }
0x36: {  	p1 =	seq.s32 s10, $0x1;
	s10 =	sld [smem:$0x3FBA];
	_ =	sdelay $0x3  }
0x37: {  	[smem:$0x3FBA] =	sst s10  }
0x38: {  	s10 =	sld [smem:$0x3FBB]  }
0x39: {  	_ = 	snop;
	(pc) =	sbr.ind lr, $3  }
0x3a: {  	_ = 	snop  }
0x3b: {  	_ = 	snop  }
0x3c: {  	p2 =	seq.s32 s10, $0x1;
	s10 =	sld [smem:$0x3FBA]  }
0x3d: {  	_ =	shalt  }
0x3e: {  	_ =	shalt  }
0x3f: {  	_ =	shalt  }
0x40: {  	_ =	shalt  }
0x41: {  	_ =	shalt  }
0x42: {  	_ =	shalt  }
0x43: {  	_ =	shalt  }
0x44: {  	_ =	shalt  }
0x45: {  	_ =	shalt  }
0x46: {  	_ =	shalt  }
0x47: {  	_ =	shalt  }
0x48: {  	_ =	shalt  }
0x49: {  	_ =	shalt  }
0x4a: {  	_ =	shalt  }
0x4b: {  	_ =	shalt  }
0x4c: {  	_ =	shalt  }
0x4d: {  	_ =	shalt  }
0x4e: {  	_ =	shalt  }
0x4f: {  	_ =	shalt  }
0x50: {  	_ =	shalt  }
0x51: {  	_ =	shalt  }
0x52: {  	_ =	shalt  }
0x53: {  	_ =	shalt  }
0x54: {  	_ =	shalt  }
0x55: {  	_ =	shalt  }
0x56: {  	_ =	shalt  }
0x57: {  	_ =	shalt  }
0x58: {  	_ =	shalt  }
0x59: {  	_ =	shalt  }
0x5a: {  	_ =	shalt  }
0x5b: {  	_ =	shalt  }
0x5c: {  	_ =	shalt  }
0x5d: {  	_ =	shalt  }
0x5e: {  	_ =	shalt  }
0x5f: {  	_ =	shalt  }
0x60: {  	_ =	shalt  }
0x61: {  	_ =	shalt  }
0x62: {  	_ =	shalt  }
0x63: {  	_ =	shalt  }
0x64: {  	_ =	shalt  }
0x65: {  	_ =	shalt  }
0x66: {  	_ =	shalt  }
0x67: {  	_ =	shalt  }
0x68: {  	_ =	shalt  }
0x69: {  	_ =	shalt  }
0x6a: {  	_ =	shalt  }
0x6b: {  	_ =	shalt  }
0x6c: {  	_ =	shalt  }
0x6d: {  	_ =	shalt  }
0x6e: {  	_ =	shalt  }
0x6f: {  	_ =	shalt  }
0x70: {  	_ =	shalt  }
0x71: {  	_ =	shalt  }
0x72: {  	_ =	shalt  }
0x73: {  	_ =	shalt  }
0x74: {  	_ =	shalt  }
0x75: {  	_ =	shalt  }
0x76: {  	_ =	shalt  }
0x77: {  	_ =	shalt  }
0x78: {  	_ =	shalt  }
0x79: {  	_ =	shalt  }
0x7a: {  	_ =	shalt  }
0x7b: {  	_ =	shalt  }
0x7c: {  	_ =	shalt  }
0x7d: {  	_ =	shalt  }
0x7e: {  	_ =	shalt  }
0x7f: {  	_ =	shalt  }
0x80: {  	_ =	shalt  }
0x81: {  	_ =	shalt  }
0x82: {  	_ =	shalt  }
0x83: {  	_ =	shalt  }
0x84: {  	_ =	shalt  }
0x85: {  	_ =	shalt  }
0x86: {  	_ =	shalt  }
0x87: {  	_ =	shalt  }
.Lfunc_end0:
.L_simem_size_0:
called_computation_lowered:
.L_overlay_start_0:
0x88: {  	s2 =	sld [smem:$0x3FD9]  }
0x89: {  	s3 =	sld [smem:$0x3FFE];
	_ =	sdelay $0x1  }
0x8a: {  	s1 =	srdreg.scid  }
0x8b: {  	s0 =	sand.u32 $0x1, s1  }
0x8c: {  	s17 =	sshll.u32 s0, $0xA;
	s2 =	sadd.s32 s3, s2  }
0x8d: {  	s2 =	sadd.s32 s2, s17  }
0x8e: {  	[smem:$0x3FC6] =	sst s2  }
0x8f: {  	_ = 	snop  }
0x90: {  	s2 =	sld [smem:$0x3FC9]  }
0x91: {  	s18 =	sld [smem:$0x3FD0];
	(tm) =	ssettm $0x1  }
0x92: {  	s4 =	sld [smem:$0x3FFB];
	_ =	sdelay $0x3  }
0x93: {  	_ =	strace s4  }
0x94: {  	s4 =	sld [smem:$0x3FFC];
	_ =	sdelay $0x3  }
0x95: {  	_ =	strace s4  }
0x96: {  	s4 =	sld [smem:$0x3FFD];
	_ =	sdelay $0x3  }
0x97: {  	_ =	strace s4  }
0x98: {  	_ =	strace $0x8FFFFFFF  }
0x99: {  	s19 =	sld [smem:$0x3FDB];
	_ =	sdelay $0x1  }
0x9a: {  	s5 =	simm.s32 $_scs_section_size  }
0x9b: {  	s6 =	simm.s32 $_size__tile_overlayer_lowered;
	s7 =	simm.s32 $_tile_overlayer_lowered  }
0x9c: {  	s22 =	simm.s32 $0x1BFF;
	s21 =	sshll.u32 s7, $0x1;
	s4 =	sadd.s32 s5, s19  }
0x9d: {  	s8 =	simm.s32 $0x0;
	s20 =	sshll.u32 s6, $0x1;
	s6 =	sadd.s32 s21, s4  }
0x9e: {  	[timem:s8], [sflag:s22] =	dma.local [hbm:s6], s20  }
0x9f: {  	_ =	swait.ge [sflag:s22], s20  }
0xa0: {  	s5 =	ssub.s32 $0x0, s20;
	[sflag:s22] =	ssyncset.done $0x0  }
0xa1: {  	[sflag:s22] =	ssyncadd.s32 s5;
	_ =	sdelay $0x1  }
0xa2: {  	s23 =	simm.s32 $0x1B8B  }
0xa3: {  	_ =	swait.ge [sflag:s23], $0x1  }
0xa4: {  	[sflag:s23] =	ssyncset.done $0x0  }
0xa5: {  	s25 =	simm.s32 $0x1B8E;
	s24 =	sld [smem:$0x3FFE];
	[sflag:s23] =	ssyncadd.s32 $0xFFFFFFFF  }
0xa6: {  	s26 =	simm.s32 $execute0_lowered;
	[smem:$0x3FD2] =	sst s25  }
0xa7: {  	s6 =	sshll.u32 s26, $0x1;
	_ =	strace $0x80000046;
	[dreg:$0x1] =	wrdreg $0xFFFFFFFF  }
0xa8: {  	s28 =	simm.s32 $_size_execute0_lowered;
	s4 =	sadd.s32 s4, s6;
	[dreg:$0x0] =	wrdreg $0x0  }
0xa9: {  	s6 =	sshll.u32 s28, $0x1;
	[dreg:$0x2] =	wrdreg s4  }
0xaa: {  	[dreg:$0x3] =	wrdreg s6  }
0xab: {  	[dreg:$0x4] =	wrdreg $0xC0  }
0xac: {  	_ =	task [dreg:s8], $0x5FFFF  }
0xad: {  	[dreg:$0x1] =	wrdreg $0xFFFFFFFF  }
0xae: {  	[dreg:$0x0] =	wrdreg $0x60  }
0xaf: {  	[dreg:$0x2] =	wrdreg s2  }
0xb0: {  	[dreg:$0x3] =	wrdreg s24  }
0xb1: {  	[dreg:$0x4] =	wrdreg s18  }
0xb2: {  	[dreg:$0x5] =	wrdreg $0x9  }
0xb3: {  	_ =	task.clear_ibuf [dreg:s8], $0x6FFFF;
	_ =	strace $0x90000046  }
0xb4: {  	s29 =	simm.s32 $0x9;
	_ =	strace $0x80000048  }
0xb5: {  	_ =	swait.ge [sflag:s29], $0x1  }
0xb6: {  	[sflag:s29] =	ssyncadd.s32 $0xFFFFFFFF  }
0xb7: {  	_ =	strace $0x90000048  }
0xb8: {  	_ =	sfence  }
0xb9: {  	s30 =	sld [smem:$0x0];
	_ =	sdelay $0x2  }
0xba: {  	s31 =	sshll.u32 s1, $0xD;
	s1 =	sshrl.u32 s1, $0x2  }
0xbb: {  	s3 =	sand.u32 $0x4000, s31;
	s1 =	sadd.s32 s1, s30  }
0xbc: {  	s0 =	sor.u32 s3, s0;
	s1 =	sshll.u32 s1, $0x11  }
0xbd: {  	s0 =	sor.u32 s1, s0  }
0xbe: {  	s0 =	sadd.s32 $0x8F2B, s0  }
0xbf: {  	[sflag:s0] =	ssyncadd.remote.s32 $0x1  }
0xc0: {  	_ =	sfence.sel $0xFFFF  }
0xc1: {  	[dreg:$0x0] =	wrdreg $0xFFFFFFFF;
	(pc) =	sbr.abs _section_cstart, $3  }
0xc2: {  	[dreg:$0x1] =	wrdreg $0xFFFFFFFF  }
0xc3: {  	_ =	task.clear_ibuf [dreg:s8], $0x2FFFF;
	_ =	strace $0x9FFFFFFF  }
0xc4: {  	(tm) =	ssettm $0x7FFFFFFF  }
0xc5: {  	_ =	shalt  }
tec
execute0_lowered:
.L_overlay_start_1:
0x0: {  	(tag) =	ssettag $0x1  }
0x1: {  	s1 =	rddreg [dreg:$0x0]  }
0x2: {  	s4 =	rddreg [dreg:$0x1]  }
0x3: {  	s6 =	rddreg [dreg:$0x2]  }
0x4: {  	s0 =	rddreg [dreg:$0x3]  }
0x5: {  	s3 =	simm.s32 $0x0;
	s5 =	srdreg.scid;
	s2 =	stileid.u32  }
0x6: {  	s11 =	simm.s32 $0x0;
	[smem:$0x7FF] =	sst s3;
	s5 =	sand.u32 $0x1, s5  }
0x7: {  	s7 =	sshll.u32 s2, $0xC;
	s10 =	smul.u32 $0x27100, s2;
	_ =	strace $0x80000047  }
0x8: {  	s8 =	sshll.u32 s5, $0xB;
	s9 =	ssub.s32 $0x2, s5;
	s31 =	smul.u32 $0x13880, s5  }
0x9: {  	s7 =	sor.u32 s8, s7;
	s29 =	sshrl.u32 s9, $0x1;
	s6 =	sadd.s32 s10, s6  }
0xa: {  	s8 =	simm.s32 $0x28;
	s10 =	simm.s32 $0x1;
	s4 =	sadd.s32 s7, s4  }
0xb: {  	s30 =	ssub.s32 s9, s29;
	s6 =	sadd.s32 s31, s6;
	s7 =	simm.s32 $0x2  }
0xc: {  	s9 =	simm.s32 $0x4000;
	s4 =	sadd.s32 $0x400, s4;
	s5 =	smax.u32 s30, $0x1  }
.LBB2_1:
0xd: {  	[tilespmem:s3], [sflag:$0x2] =	stream.linear.gather [hbm4b:s4+s3], $0x3E80, $0x38;
	[tilespmem:$0x5400] =	vst v63  }
0xe: {  	_ =	swait.ge [sflag:s7], $0x3E80  }
0xf: {  	[sflag:s7] =	ssyncset.done $0x0  }
0x10: {  	s12 =	simm.s32 $0x0;
	[sflag:s7] =	ssyncadd.s32 $0xFFFFC180  }
0x11: {  	[tilespmem:s9], [sflag:$0x1] =	stream.indirect.gather [hbm4b:s1+s8], $0x80, s12, s8, $0xb8;
	[tilespmem:$0x5400] =	vst v63  }
0x12: {  	_ =	swait.ge [sflag:s10], $0x1400  }
0x13: {  	[sflag:s10] =	ssyncset.done $0x0  }
0x14: {  	[sflag:s10] =	ssyncadd.s32 $0xFFFFEC00  }
0x15: {  	[hbm4b:s6+s3] =	stream.linear.scatter [tilespmem:s9], [sflag:$0x2], $0x1400, $0x38;
	[tilespmem:$0x5400] =	vst v63  }
0x16: {  	s13 =	simm.s32 $0x200;
	_ =	swait.ge [sflag:s7], $0x1400  }
0x17: {  	s14 =	simm.s32 $0x400;
	s12 =	sadd.s32 $0x280, s6;
	[sflag:s7] =	ssyncset.done $0x0  }
.LBB2_2:
0x18: {  	s15 =	sshra.s32 s13, $0x2  }
0x19: {  	[sflag:s7] =	ssyncadd.s32 $0xFFFFEC00;
	s13 =	smov.u32 s14;
	s16 =	sadd.s32 $0x200, s14  }
0x1a: {  	[tilespmem:s9], [sflag:$0x1] =	stream.indirect.gather [hbm4b:s1+s8], $0x80, s15, s8, $0xb8;
	[tilespmem:$0x5400] =	vst v63  }
0x1b: {  	p0 =	sne.s32 s14, $0xF800;
	_ =	swait.ge [sflag:s10], $0x1400  }
.Ltmp0:
0x1c: {  	[sflag:s10] =	ssyncset.done $0x0;
	(pc) =	sbr.rel @p0 .LBB2_2-.Ltmp0, $4  }
0x1d: {  	[sflag:s10] =	ssyncadd.s32 $0xFFFFEC00  }
0x1e: {  	[hbm4b:s12+s3] =	stream.linear.scatter [tilespmem:s9], [sflag:$0x2], $0x1400, $0x38;
	[tilespmem:$0x5400] =	vst v63  }
0x1f: {  	_ =	swait.ge [sflag:s7], $0x1400  }
0x20: {  	s14 =	smov.u32 s16;
	s12 =	sadd.s32 $0x280, s12;
	[sflag:s7] =	ssyncset.done $0x0  }
0x21: {  	s13 =	sshra.s32 s13, $0x2;
	[sflag:s7] =	ssyncadd.s32 $0xFFFFEC00  }
0x22: {  	[tilespmem:s9], [sflag:$0x1] =	stream.indirect.gather [hbm4b:s1+s8], $0x80, s13, s8, $0xb8;
	[tilespmem:$0x5400] =	vst v63  }
0x23: {  	s11 =	sadd.s32 $0x1, s11;
	_ =	swait.ge [sflag:s10], $0x1400  }
0x24: {  	p0 =	sne.s32 s11, s5;
	[sflag:s10] =	ssyncset.done $0x0  }
.Ltmp1:
0x25: {  	[sflag:s10] =	ssyncadd.s32 $0xFFFFEC00;
	(pc) =	sbr.rel @p0 .LBB2_1-.Ltmp1, $4  }
0x26: {  	[hbm4b:s12+s3] =	stream.linear.scatter [tilespmem:s9], [sflag:$0x2], $0x1400, $0x38;
	[tilespmem:$0x5400] =	vst v63  }
0x27: {  	_ =	swait.ge [sflag:s7], $0x1400  }
0x28: {  	[sflag:s7] =	ssyncset.done $0x0  }
0x29: {  	[sflag:s7] =	ssyncadd.s32 $0xFFFFEC00  }
0x2a: {  	_ =	sfence.sel $0x180000  }
0x2b: {  	[bflag:$0x0] =	sbarrier.arrive $0xFFFF  }
0x2c: {  	p0 =	sne.s32 s2, $0x0;
	_ =	strace $0x90000047  }
0x2d: {  	s0 =	sadd.s32 @!p0 $0x100000, s0;
	[bflag:$0x2] =	sbarrier.arrive $0xFFFF  }
0x2e: {  	[sflag:s0] =	ssyncadd.tile.s32 @!p0 $0x1;
	_ =	shalt  }
.Lfunc_end2:
_tile_overlayer_lowered:
.L_overlay_start_2:
0x2f: {  	(tag) =	ssettag $0x2  }
0x30: {  	s0 =	rddreg [dreg:$0x0];
	s2 =	stileid.u32  }
0x31: {  	s1 =	rddreg [dreg:$0x1];
	p0 =	sne.s32 s2, $0x0  }
0x32: {  	s3 =	rddreg [dreg:$0x2];
	[bflag:$0x3] =	sbarrier.arrive $0xFFFF;
	s2 =	simm.s32 @!p0 $0x1C02  }
0x33: {  	[timem:s3], [sflag:s2] =	dma.local @!p0 [hbm:s0], s1  }
0x34: {  	s0 =	simm.s32 @!p0 $0x2  }
0x35: {  	_ =	swait.ge @!p0 [sflag:s0], s1  }
0x36: {  	s1 =	ssub.s32 @!p0 $0x0, s1;
	[sflag:s0] =	ssyncset.done @!p0 $0x0  }
0x37: {  	[sflag:s0] =	ssyncadd.s32 @!p0 s1  }
0x38: {  	[bflag:$0x3] =	sbarrier.arrive $0xFFFF  }
0x39: {  	_ =	shalt  }

</sc_bundles>
